<compile_context>
chip_gen: v7x
topology: tpu7x:2x2x1
jax: 0.10.2.dev20260603
libtpu: 0.0.44.dev20260713+nightly
codegen_flags: <defaults>
</compile_context>

<pallas_src>
import functools

import jax
import jax.numpy as jnp
from jax import lax
from jax.experimental import pallas as pl
from jax.experimental.pallas import tpu as pltpu
from jax.experimental.pallas import tpu_sc as plsc

NUM_ROWS = 100000
NUM_COLS = 256
CHUNK_ROWS = 200
N_CHUNKS = NUM_ROWS // CHUNK_ROWS
N_WORKERS = 32
NBUF = 2
MAX_ITERS = -(-N_CHUNKS // N_WORKERS)
N_GROUPS = -(-MAX_ITERS // NBUF)

_mesh = plsc.VectorSubcoreMesh(core_axis_name="c", subcore_axis_name="s")


def _rows(c):
    return pl.ds(c * CHUNK_ROWS, CHUNK_ROWS)


@functools.partial(
    pl.kernel,
    out_type=jax.ShapeDtypeStruct((NUM_ROWS, NUM_COLS), jnp.float32),
    mesh=_mesh,
    scratch_types=[
        pltpu.VMEM_SHARED((16, NBUF, CHUNK_ROWS, NUM_COLS), jnp.float32),
        [pltpu.SemaphoreType.DMA] * NBUF,
        [pltpu.SemaphoreType.DMA] * NBUF,
    ],
)
def _sc_copy(x_hbm, o_hbm, shared, isems, osems):
    sid = lax.axis_index("s")
    wid = sid * 2 + lax.axis_index("c")
    bufs = tuple(shared.at[sid, b] for b in range(NBUF))

    for b in range(NBUF):
        pltpu.async_copy(x_hbm.at[_rows(wid + b * N_WORKERS)], bufs[b], isems[b])

    def group(g, carry):
        for b in range(NBUF):
            i = g * NBUF + b
            c = wid + i * N_WORKERS

            @pl.when(c < N_CHUNKS)
            def _(b=b, c=c):
                pltpu.make_async_copy(x_hbm.at[_rows(c)], bufs[b], isems[b]).wait()
                pltpu.async_copy(bufs[b], o_hbm.at[_rows(c)], osems[b])

            j = i - (NBUF - 1)
            bj = (b + 1) % NBUF
            cj = wid + j * N_WORKERS
            cn = cj + NBUF * N_WORKERS

            @pl.when(jnp.logical_and(j >= 0, cn < N_CHUNKS))
            def _(bj=bj, cj=cj, cn=cn):
                pltpu.make_async_copy(bufs[bj], o_hbm.at[_rows(cj)], osems[bj]).wait()
                pltpu.async_copy(x_hbm.at[_rows(cn)], bufs[bj], isems[bj])

        return carry

    lax.fori_loop(0, N_GROUPS, group, 0)

    for b in range(NBUF):
        pltpu.make_async_copy(bufs[b], o_hbm.at[_rows(0)], osems[b]).wait()


def kernel(weight):
    return _sc_copy(weight)

# --- scband reference (transcript-rebuilt; emitter-appended) ---
"""Pipeline reference for scband-dot-p-23665269801372 (READ-ONLY COPY).

The authoritative reference and input builder live on the scoring server;
editing this copy changes nothing except your own understanding.
"""

import jax, jax.numpy as jnp
import numpy as np

NUM_NODES = 100000
IN_CHANNELS = 256

def setup_inputs(seed: int = 0) -> dict:
    key = jax.random.key(seed)
    # nn.Embedding default init is N(0, 1)
    weight = jax.random.normal(key, (NUM_NODES, IN_CHANNELS), dtype=jnp.float32)
    return {"weight": weight}

def reference(weight):
    # forward simply returns the full embedding weight matrix
    x = weight
    return x

if __name__ == "__main__":
    import jax
    _d = setup_inputs()
    print(jax.jit(kernel)(*tuple(_d.values())))

</pallas_src>

<mosaic_0001>
#map = affine_map<(d0, d1) -> (0, 0)>
module attributes {stable_mosaic.version = 14 : i64} {
  func.func @_sc_copy(%arg0: i32, %arg1: i32, %arg2: memref<100000x256xf32, #tpu.memory_space<hbm>>, %arg3: memref<100000x256xf32, #tpu.memory_space<hbm>>, %arg4: memref<16x2x200x256xf32, #tpu.memory_space<vmem_shared>>, %arg5: memref<!tpu.dma_semaphore, #tpu.memory_space<semaphore_mem>>, %arg6: memref<!tpu.dma_semaphore, #tpu.memory_space<semaphore_mem>>, %arg7: memref<!tpu.dma_semaphore, #tpu.memory_space<semaphore_mem>>, %arg8: memref<!tpu.dma_semaphore, #tpu.memory_space<semaphore_mem>>) attributes {dimension_semantics = [#tpu.dimension_semantics<core_parallel>, #tpu.dimension_semantics<subcore_parallel>], iteration_bounds = array<i64: 2, 16>, scalar_prefetch = 0 : i64, scratch_operands = 5 : i64, tpu.core_type = #tpu.core_type<sc_vector_subcore>, window_params = [{transform_indices = #map}, {transform_indices = #map}]} {
    %mul3A = arith.constant 2 : i32
    %mul3A_0 = arith.muli %arg1, %mul3A : i32
    %add3A = arith.addi %mul3A_0, %arg0 : i32
    %add3A_1 = arith.constant 0 : i32
    %add3A_2 = arith.addi %add3A, %add3A_1 : i32
    %mul3A_3 = arith.constant 200 : i32
    %mul3A_4 = arith.muli %add3A_2, %mul3A_3 : i32
    %dma_start3A = arith.constant 0 : i32
    %dma_start3A_5 = arith.constant 0 : i32
    %dma_start3A_6 = arith.constant 0 : i32
    %dma_start3A_7 = tpu.memref_slice %arg4[%arg1, %dma_start3A, %dma_start3A_5, %dma_start3A_6] : memref<16x2x200x256xf32, #tpu.memory_space<vmem_shared>> -> memref<1x1x200x256xf32, #tpu.memory_space<vmem_shared>>
    %dma_start3A_8 = tpu.memref_squeeze %dma_start3A_7 : memref<1x1x200x256xf32, #tpu.memory_space<vmem_shared>> -> memref<200x256xf32, #tpu.memory_space<vmem_shared>>
    %dma_start3A_9 = arith.constant 0 : i32
    %dma_start3A_10 = tpu.memref_slice %arg2[%mul3A_4, %dma_start3A_9] : memref<100000x256xf32, #tpu.memory_space<hbm>> -> memref<200x256xf32, #tpu.memory_space<hbm>>
    tpu.enqueue_dma source(%dma_start3A_10 : memref<200x256xf32, #tpu.memory_space<hbm>>) target(%dma_start3A_8 : memref<200x256xf32, #tpu.memory_space<vmem_shared>>) target_semaphore(%arg5 : memref<!tpu.dma_semaphore, #tpu.memory_space<semaphore_mem>>)
    %add3A_11 = arith.constant 32 : i32
    %add3A_12 = arith.addi %add3A, %add3A_11 : i32
    %mul3A_13 = arith.constant 200 : i32
    %mul3A_14 = arith.muli %add3A_12, %mul3A_13 : i32
    %dma_start3A_15 = arith.constant 1 : i32
    %dma_start3A_16 = arith.constant 0 : i32
    %dma_start3A_17 = arith.constant 0 : i32
    %dma_start3A_18 = tpu.memref_slice %arg4[%arg1, %dma_start3A_15, %dma_start3A_16, %dma_start3A_17] : memref<16x2x200x256xf32, #tpu.memory_space<vmem_shared>> -> memref<1x1x200x256xf32, #tpu.memory_space<vmem_shared>>
    %dma_start3A_19 = tpu.memref_squeeze %dma_start3A_18 : memref<1x1x200x256xf32, #tpu.memory_space<vmem_shared>> -> memref<200x256xf32, #tpu.memory_space<vmem_shared>>
    %dma_start3A_20 = arith.constant 0 : i32
    %dma_start3A_21 = tpu.memref_slice %arg2[%mul3A_14, %dma_start3A_20] : memref<100000x256xf32, #tpu.memory_space<hbm>> -> memref<200x256xf32, #tpu.memory_space<hbm>>
    tpu.enqueue_dma source(%dma_start3A_21 : memref<200x256xf32, #tpu.memory_space<hbm>>) target(%dma_start3A_19 : memref<200x256xf32, #tpu.memory_space<vmem_shared>>) target_semaphore(%arg6 : memref<!tpu.dma_semaphore, #tpu.memory_space<semaphore_mem>>)
    %scan3A = arith.constant 0 : i32
    %scan3A_22 = arith.constant 0 : i32
    %scan3A_23 = arith.constant 1 : i32
    %scan3A_24 = arith.constant 0 : i32
    %scan3A_25 = arith.constant 8 : i32
    %scan3A_26 = arith.addi %scan3A_24, %scan3A_25 : i32
    %scan3A_27 = arith.constant 1 : i32
    scf.for %scan3A_44 = %scan3A_24 to %scan3A_26 step %scan3A_27  : i32 {
      %mul3A_45 = arith.constant 2 : i32
      %mul3A_46 = arith.muli %scan3A_44, %mul3A_45 : i32
      %add3A_47 = arith.constant 0 : i32
      %add3A_48 = arith.addi %mul3A_46, %add3A_47 : i32
      %mul3A_49 = arith.constant 32 : i32
      %mul3A_50 = arith.muli %add3A_48, %mul3A_49 : i32
      %add3A_51 = arith.addi %add3A, %mul3A_50 : i32
      %lt3A = arith.constant 500 : i32
      %lt3A_52 = arith.cmpi slt, %add3A_51, %lt3A : i32
      %convert_element_type3A = arith.extui %lt3A_52 : i1 to i32
      %cond3A = arith.constant 0 : i32
      %cond3A_53 = arith.cmpi ne, %convert_element_type3A, %cond3A : i32
      scf.if %cond3A_53 {
        %mul3A_93 = arith.constant 200 : i32
        %mul3A_94 = arith.muli %add3A_51, %mul3A_93 : i32
        %dma_wait3A_95 = arith.constant 0 : i32
        %dma_wait3A_96 = arith.constant 0 : i32
        %dma_wait3A_97 = tpu.memref_slice %arg4[%arg1, %scan3A_22, %dma_wait3A_95, %dma_wait3A_96] : memref<16x2x200x256xf32, #tpu.memory_space<vmem_shared>> -> memref<1x1x200x256xf32, #tpu.memory_space<vmem_shared>>
        %dma_wait3A_98 = tpu.memref_squeeze %dma_wait3A_97 : memref<1x1x200x256xf32, #tpu.memory_space<vmem_shared>> -> memref<200x256xf32, #tpu.memory_space<vmem_shared>>
        %dma_wait3A_99 = arith.constant 0 : i32
        %dma_wait3A_100 = tpu.memref_slice %arg2[%mul3A_94, %dma_wait3A_99] : memref<100000x256xf32, #tpu.memory_space<hbm>> -> memref<200x256xf32, #tpu.memory_space<hbm>>
        tpu.wait_dma2 semaphore(%arg5 : memref<!tpu.dma_semaphore, #tpu.memory_space<semaphore_mem>>) src(%dma_wait3A_100 : memref<200x256xf32, #tpu.memory_space<hbm>>) dst(%dma_wait3A_98 : memref<200x256xf32, #tpu.memory_space<vmem_shared>>)
        %mul3A_101 = arith.constant 200 : i32
        %mul3A_102 = arith.muli %add3A_51, %mul3A_101 : i32
        %dma_start3A_103 = arith.constant 0 : i32
        %dma_start3A_104 = tpu.memref_slice %arg3[%mul3A_102, %dma_start3A_103] : memref<100000x256xf32, #tpu.memory_space<hbm>> -> memref<200x256xf32, #tpu.memory_space<hbm>>
        %dma_start3A_105 = arith.constant 0 : i32
        %dma_start3A_106 = arith.constant 0 : i32
        %dma_start3A_107 = tpu.memref_slice %arg4[%arg1, %scan3A_22, %dma_start3A_105, %dma_start3A_106] : memref<16x2x200x256xf32, #tpu.memory_space<vmem_shared>> -> memref<1x1x200x256xf32, #tpu.memory_space<vmem_shared>>
        %dma_start3A_108 = tpu.memref_squeeze %dma_start3A_107 : memref<1x1x200x256xf32, #tpu.memory_space<vmem_shared>> -> memref<200x256xf32, #tpu.memory_space<vmem_shared>>
        tpu.enqueue_dma source(%dma_start3A_108 : memref<200x256xf32, #tpu.memory_space<vmem_shared>>) target(%dma_start3A_104 : memref<200x256xf32, #tpu.memory_space<hbm>>) target_semaphore(%arg7 : memref<!tpu.dma_semaphore, #tpu.memory_space<semaphore_mem>>)
      } else {
      }
      %sub3A = arith.constant 1 : i32
      %sub3A_54 = arith.subi %add3A_48, %sub3A : i32
      %mul3A_55 = arith.constant 32 : i32
      %mul3A_56 = arith.muli %sub3A_54, %mul3A_55 : i32
      %add3A_57 = arith.addi %add3A, %mul3A_56 : i32
      %add3A_58 = arith.constant 64 : i32
      %add3A_59 = arith.addi %add3A_57, %add3A_58 : i32
      %ge3A = arith.constant 0 : i32
      %ge3A_60 = arith.cmpi sge, %sub3A_54, %ge3A : i32
      %lt3A_61 = arith.constant 500 : i32
      %lt3A_62 = arith.cmpi slt, %add3A_59, %lt3A_61 : i32
      %and3A = arith.andi %ge3A_60, %lt3A_62 : i1
      %convert_element_type3A_63 = arith.extui %and3A : i1 to i32
      %cond3A_64 = arith.constant 0 : i32
      %cond3A_65 = arith.cmpi ne, %convert_element_type3A_63, %cond3A_64 : i32
      scf.if %cond3A_65 {
        %mul3A_93 = arith.constant 200 : i32
        %mul3A_94 = arith.muli %add3A_57, %mul3A_93 : i32
        %dma_wait3A_95 = arith.constant 0 : i32
        %dma_wait3A_96 = tpu.memref_slice %arg3[%mul3A_94, %dma_wait3A_95] : memref<100000x256xf32, #tpu.memory_space<hbm>> -> memref<200x256xf32, #tpu.memory_space<hbm>>
        %dma_wait3A_97 = arith.constant 0 : i32
        %dma_wait3A_98 = arith.constant 0 : i32
        %dma_wait3A_99 = tpu.memref_slice %arg4[%arg1, %scan3A_23, %dma_wait3A_97, %dma_wait3A_98] : memref<16x2x200x256xf32, #tpu.memory_space<vmem_shared>> -> memref<1x1x200x256xf32, #tpu.memory_space<vmem_shared>>
        %dma_wait3A_100 = tpu.memref_squeeze %dma_wait3A_99 : memref<1x1x200x256xf32, #tpu.memory_space<vmem_shared>> -> memref<200x256xf32, #tpu.memory_space<vmem_shared>>
        tpu.wait_dma2 semaphore(%arg8 : memref<!tpu.dma_semaphore, #tpu.memory_space<semaphore_mem>>) src(%dma_wait3A_100 : memref<200x256xf32, #tpu.memory_space<vmem_shared>>) dst(%dma_wait3A_96 : memref<200x256xf32, #tpu.memory_space<hbm>>)
        %mul3A_101 = arith.constant 200 : i32
        %mul3A_102 = arith.muli %add3A_59, %mul3A_101 : i32
        %dma_start3A_103 = arith.constant 0 : i32
        %dma_start3A_104 = arith.constant 0 : i32
        %dma_start3A_105 = tpu.memref_slice %arg4[%arg1, %scan3A_23, %dma_start3A_103, %dma_start3A_104] : memref<16x2x200x256xf32, #tpu.memory_space<vmem_shared>> -> memref<1x1x200x256xf32, #tpu.memory_space<vmem_shared>>
        %dma_start3A_106 = tpu.memref_squeeze %dma_start3A_105 : memref<1x1x200x256xf32, #tpu.memory_space<vmem_shared>> -> memref<200x256xf32, #tpu.memory_space<vmem_shared>>
        %dma_start3A_107 = arith.constant 0 : i32
        %dma_start3A_108 = tpu.memref_slice %arg2[%mul3A_102, %dma_start3A_107] : memref<100000x256xf32, #tpu.memory_space<hbm>> -> memref<200x256xf32, #tpu.memory_space<hbm>>
        tpu.enqueue_dma source(%dma_start3A_108 : memref<200x256xf32, #tpu.memory_space<hbm>>) target(%dma_start3A_106 : memref<200x256xf32, #tpu.memory_space<vmem_shared>>) target_semaphore(%arg6 : memref<!tpu.dma_semaphore, #tpu.memory_space<semaphore_mem>>)
      } else {
      }
      %mul3A_66 = arith.constant 2 : i32
      %mul3A_67 = arith.muli %scan3A_44, %mul3A_66 : i32
      %add3A_68 = arith.constant 1 : i32
      %add3A_69 = arith.addi %mul3A_67, %add3A_68 : i32
      %mul3A_70 = arith.constant 32 : i32
      %mul3A_71 = arith.muli %add3A_69, %mul3A_70 : i32
      %add3A_72 = arith.addi %add3A, %mul3A_71 : i32
      %lt3A_73 = arith.constant 500 : i32
      %lt3A_74 = arith.cmpi slt, %add3A_72, %lt3A_73 : i32
      %convert_element_type3A_75 = arith.extui %lt3A_74 : i1 to i32
      %cond3A_76 = arith.constant 0 : i32
      %cond3A_77 = arith.cmpi ne, %convert_element_type3A_75, %cond3A_76 : i32
      scf.if %cond3A_77 {
        %mul3A_93 = arith.constant 200 : i32
        %mul3A_94 = arith.muli %add3A_72, %mul3A_93 : i32
        %dma_wait3A_95 = arith.constant 0 : i32
        %dma_wait3A_96 = arith.constant 0 : i32
        %dma_wait3A_97 = tpu.memref_slice %arg4[%arg1, %scan3A_23, %dma_wait3A_95, %dma_wait3A_96] : memref<16x2x200x256xf32, #tpu.memory_space<vmem_shared>> -> memref<1x1x200x256xf32, #tpu.memory_space<vmem_shared>>
        %dma_wait3A_98 = tpu.memref_squeeze %dma_wait3A_97 : memref<1x1x200x256xf32, #tpu.memory_space<vmem_shared>> -> memref<200x256xf32, #tpu.memory_space<vmem_shared>>
        %dma_wait3A_99 = arith.constant 0 : i32
        %dma_wait3A_100 = tpu.memref_slice %arg2[%mul3A_94, %dma_wait3A_99] : memref<100000x256xf32, #tpu.memory_space<hbm>> -> memref<200x256xf32, #tpu.memory_space<hbm>>
        tpu.wait_dma2 semaphore(%arg6 : memref<!tpu.dma_semaphore, #tpu.memory_space<semaphore_mem>>) src(%dma_wait3A_100 : memref<200x256xf32, #tpu.memory_space<hbm>>) dst(%dma_wait3A_98 : memref<200x256xf32, #tpu.memory_space<vmem_shared>>)
        %mul3A_101 = arith.constant 200 : i32
        %mul3A_102 = arith.muli %add3A_72, %mul3A_101 : i32
        %dma_start3A_103 = arith.constant 0 : i32
        %dma_start3A_104 = tpu.memref_slice %arg3[%mul3A_102, %dma_start3A_103] : memref<100000x256xf32, #tpu.memory_space<hbm>> -> memref<200x256xf32, #tpu.memory_space<hbm>>
        %dma_start3A_105 = arith.constant 0 : i32
        %dma_start3A_106 = arith.constant 0 : i32
        %dma_start3A_107 = tpu.memref_slice %arg4[%arg1, %scan3A_23, %dma_start3A_105, %dma_start3A_106] : memref<16x2x200x256xf32, #tpu.memory_space<vmem_shared>> -> memref<1x1x200x256xf32, #tpu.memory_space<vmem_shared>>
        %dma_start3A_108 = tpu.memref_squeeze %dma_start3A_107 : memref<1x1x200x256xf32, #tpu.memory_space<vmem_shared>> -> memref<200x256xf32, #tpu.memory_space<vmem_shared>>
        tpu.enqueue_dma source(%dma_start3A_108 : memref<200x256xf32, #tpu.memory_space<vmem_shared>>) target(%dma_start3A_104 : memref<200x256xf32, #tpu.memory_space<hbm>>) target_semaphore(%arg8 : memref<!tpu.dma_semaphore, #tpu.memory_space<semaphore_mem>>)
      } else {
      }
      %sub3A_78 = arith.constant 1 : i32
      %sub3A_79 = arith.subi %add3A_69, %sub3A_78 : i32
      %mul3A_80 = arith.constant 32 : i32
      %mul3A_81 = arith.muli %sub3A_79, %mul3A_80 : i32
      %add3A_82 = arith.addi %add3A, %mul3A_81 : i32
      %add3A_83 = arith.constant 64 : i32
      %add3A_84 = arith.addi %add3A_82, %add3A_83 : i32
      %ge3A_85 = arith.constant 0 : i32
      %ge3A_86 = arith.cmpi sge, %sub3A_79, %ge3A_85 : i32
      %lt3A_87 = arith.constant 500 : i32
      %lt3A_88 = arith.cmpi slt, %add3A_84, %lt3A_87 : i32
      %and3A_89 = arith.andi %ge3A_86, %lt3A_88 : i1
      %convert_element_type3A_90 = arith.extui %and3A_89 : i1 to i32
      %cond3A_91 = arith.constant 0 : i32
      %cond3A_92 = arith.cmpi ne, %convert_element_type3A_90, %cond3A_91 : i32
      scf.if %cond3A_92 {
        %mul3A_93 = arith.constant 200 : i32
        %mul3A_94 = arith.muli %add3A_82, %mul3A_93 : i32
        %dma_wait3A_95 = arith.constant 0 : i32
        %dma_wait3A_96 = tpu.memref_slice %arg3[%mul3A_94, %dma_wait3A_95] : memref<100000x256xf32, #tpu.memory_space<hbm>> -> memref<200x256xf32, #tpu.memory_space<hbm>>
        %dma_wait3A_97 = arith.constant 0 : i32
        %dma_wait3A_98 = arith.constant 0 : i32
        %dma_wait3A_99 = tpu.memref_slice %arg4[%arg1, %scan3A_22, %dma_wait3A_97, %dma_wait3A_98] : memref<16x2x200x256xf32, #tpu.memory_space<vmem_shared>> -> memref<1x1x200x256xf32, #tpu.memory_space<vmem_shared>>
        %dma_wait3A_100 = tpu.memref_squeeze %dma_wait3A_99 : memref<1x1x200x256xf32, #tpu.memory_space<vmem_shared>> -> memref<200x256xf32, #tpu.memory_space<vmem_shared>>
        tpu.wait_dma2 semaphore(%arg7 : memref<!tpu.dma_semaphore, #tpu.memory_space<semaphore_mem>>) src(%dma_wait3A_100 : memref<200x256xf32, #tpu.memory_space<vmem_shared>>) dst(%dma_wait3A_96 : memref<200x256xf32, #tpu.memory_space<hbm>>)
        %mul3A_101 = arith.constant 200 : i32
        %mul3A_102 = arith.muli %add3A_84, %mul3A_101 : i32
        %dma_start3A_103 = arith.constant 0 : i32
        %dma_start3A_104 = arith.constant 0 : i32
        %dma_start3A_105 = tpu.memref_slice %arg4[%arg1, %scan3A_22, %dma_start3A_103, %dma_start3A_104] : memref<16x2x200x256xf32, #tpu.memory_space<vmem_shared>> -> memref<1x1x200x256xf32, #tpu.memory_space<vmem_shared>>
        %dma_start3A_106 = tpu.memref_squeeze %dma_start3A_105 : memref<1x1x200x256xf32, #tpu.memory_space<vmem_shared>> -> memref<200x256xf32, #tpu.memory_space<vmem_shared>>
        %dma_start3A_107 = arith.constant 0 : i32
        %dma_start3A_108 = tpu.memref_slice %arg2[%mul3A_102, %dma_start3A_107] : memref<100000x256xf32, #tpu.memory_space<hbm>> -> memref<200x256xf32, #tpu.memory_space<hbm>>
        tpu.enqueue_dma source(%dma_start3A_108 : memref<200x256xf32, #tpu.memory_space<hbm>>) target(%dma_start3A_106 : memref<200x256xf32, #tpu.memory_space<vmem_shared>>) target_semaphore(%arg5 : memref<!tpu.dma_semaphore, #tpu.memory_space<semaphore_mem>>)
      } else {
      }
    }
    %scan3A_28 = arith.constant 8 : i32
    %dma_wait3A = arith.constant 0 : i32
    %dma_wait3A_29 = arith.constant 0 : i32
    %dma_wait3A_30 = arith.constant 0 : i32
    %dma_wait3A_31 = tpu.memref_slice %arg3[%dma_wait3A_29, %dma_wait3A_30] : memref<100000x256xf32, #tpu.memory_space<hbm>> -> memref<200x256xf32, #tpu.memory_space<hbm>>
    %dma_wait3A_32 = arith.constant 0 : i32
    %dma_wait3A_33 = arith.constant 0 : i32
    %dma_wait3A_34 = tpu.memref_slice %arg4[%arg1, %dma_wait3A, %dma_wait3A_32, %dma_wait3A_33] : memref<16x2x200x256xf32, #tpu.memory_space<vmem_shared>> -> memref<1x1x200x256xf32, #tpu.memory_space<vmem_shared>>
    %dma_wait3A_35 = tpu.memref_squeeze %dma_wait3A_34 : memref<1x1x200x256xf32, #tpu.memory_space<vmem_shared>> -> memref<200x256xf32, #tpu.memory_space<vmem_shared>>
    tpu.wait_dma2 semaphore(%arg7 : memref<!tpu.dma_semaphore, #tpu.memory_space<semaphore_mem>>) src(%dma_wait3A_35 : memref<200x256xf32, #tpu.memory_space<vmem_shared>>) dst(%dma_wait3A_31 : memref<200x256xf32, #tpu.memory_space<hbm>>)
    %dma_wait3A_36 = arith.constant 1 : i32
    %dma_wait3A_37 = arith.constant 0 : i32
    %dma_wait3A_38 = arith.constant 0 : i32
    %dma_wait3A_39 = tpu.memref_slice %arg3[%dma_wait3A_37, %dma_wait3A_38] : memref<100000x256xf32, #tpu.memory_space<hbm>> -> memref<200x256xf32, #tpu.memory_space<hbm>>
    %dma_wait3A_40 = arith.constant 0 : i32
    %dma_wait3A_41 = arith.constant 0 : i32
    %dma_wait3A_42 = tpu.memref_slice %arg4[%arg1, %dma_wait3A_36, %dma_wait3A_40, %dma_wait3A_41] : memref<16x2x200x256xf32, #tpu.memory_space<vmem_shared>> -> memref<1x1x200x256xf32, #tpu.memory_space<vmem_shared>>
    %dma_wait3A_43 = tpu.memref_squeeze %dma_wait3A_42 : memref<1x1x200x256xf32, #tpu.memory_space<vmem_shared>> -> memref<200x256xf32, #tpu.memory_space<vmem_shared>>
    tpu.wait_dma2 semaphore(%arg8 : memref<!tpu.dma_semaphore, #tpu.memory_space<semaphore_mem>>) src(%dma_wait3A_43 : memref<200x256xf32, #tpu.memory_space<vmem_shared>>) dst(%dma_wait3A_39 : memref<200x256xf32, #tpu.memory_space<hbm>>)
    return
  }
}

</mosaic_0001>

<sc_bundles>
// kernel: kernel.3.cloned.1.call-start
scs
__scs_entry_jumppad:
0x0: {  	(pc) =	sbr.rel $0x88, $3  }
0x1: {  	(tag) =	ssettag $0x0;
	lr =	simm.s32 $0x1  }
0x2: {  	[smem:$0x3FA0] =	sst lr;
	_ =	strace $0xD0000000  }
0x3: {  	_ = 	snop  }
0x4: {  	_ = 	snop  }
0x5: {  	_ = 	snop  }
0x6: {  	_ = 	snop  }
0x7: {  	_ = 	snop  }
__scs_overlays_trampoline_lowered:
0x8: {  	[smem:$0x3FAF] =	sst s0  }
0x9: {  	[smem:$0x3FB0] =	sst s1  }
0xa: {  	[smem:$0x3FB1] =	sst s2  }
0xb: {  	[smem:$0x3FB2] =	sst s3  }
0xc: {  	[smem:$0x3FB3] =	sst s4  }
0xd: {  	[smem:$0x3FB4] =	sst s5  }
0xe: {  	[smem:$0x3FB5] =	sst s6  }
0xf: {  	[smem:$0x3FB6] =	sst s7  }
0x10: {  	[smem:$0x3FB7] =	sst s8  }
0x11: {  	[smem:$0x3FB8] =	sst s9;
	s0 =	simm.s32 @!p0 $0x0  }
0x12: {  	s1 =	sld [smem:$0x3F9E];
	s0 =	simm.s32 @p0 $0x1  }
0x13: {  	[smem:$0x3FB9] =	sst s0;
	s0 =	simm.s32 @!p1 $0x0  }
0x14: {  	s2 =	sld [smem:$0x3F9D];
	s0 =	simm.s32 @p1 $0x1  }
0x15: {  	[smem:$0x3FBA] =	sst s0;
	s0 =	simm.s32 @!p2 $0x0  }
0x16: {  	s3 =	sld [smem:$0x3FDB];
	s0 =	simm.s32 @p2 $0x1  }
0x17: {  	s4 =	simm.s32 $0x1BF5;
	[smem:$0x3FBC] =	sst s0  }
0x18: {  	s0 =	sld [smem:$0x3F9F];
	_ =	swait.ge [sflag:s4], $0x0  }
0x19: {  	s7 =	sld [smem:$0x3FA0]  }
0x1a: {  	s8 =	sadd.s32 $0xFFFFE003, lr  }
0x1b: {  	s9 =	sadd.s32 $0xFFFFFEF7, lr;
	s5 =	simm.s32 $0xFFFFFFFF;
	p2 =	slt.u32 s8, $0xFFFFF086  }
0x1c: {  	p1 =	slt.u32 s9, $0xF7A;
	s5 =	simm.s32 @!p2 $0x0  }
0x1d: {  	s5 =	simm.s32 @p1 $0x1;
	p0 =	seq.s32 s7, s2  }
0x1e: {  	s7 =	smul.u32 @!p0 $0xF7A, s2;
	p2 =	seq.s32 @!p0 s5, $0x0  }
0x1f: {  	s9 =	smul.u32 $0xF7A, s1;
	s8 =	simm.s32 @!p0 $0x1BF5;
	p2 =	por !p2, p0  }
0x20: {  	[sflag:s8] =	ssyncset.s32 @!p0 $0xFFFFF086;
	s6 =	sadd.s32 @!p0 s3, s7;
	s7 =	simm.s32 @!p0 $0x108  }
0x21: {  	s3 =	sadd.s32 s3, s9;
	s6 =	sadd.s32 @!p0 $0x88, s6;
	s7 =	simm.s32 @p2 $0x1082  }
0x22: {  	[simem:s7], [sflag:s8] =	dma.local @!p0 [hbm:s6], $0xF7A  }
0x23: {  	s9 =	sor.u32 $0xD0000000, s2;
	s6 =	simm.s32 $0x108;
	_ =	swait.ge @!p0 [sflag:s8], $0x0  }
0x24: {  	s3 =	sadd.s32 $0x88, s3;
	s6 =	simm.s32 @!p1 $0x1082;
	[sflag:s4] =	ssyncset.s32 $0xFFFFF086  }
0x25: {  	[simem:s6], [sflag:s4] =	dma.local [hbm:s3], $0xF7A  }
0x26: {  	[smem:$0x3FA0] =	sst s1;
	(tag) =	ssettag s2;
	_ =	strace s9  }
0x27: {  	s1 =	sld [smem:$0x3FB0]  }
0x28: {  	s2 =	sld [smem:$0x3FB1]  }
0x29: {  	s4 =	sld [smem:$0x3FB3]  }
0x2a: {  	p0 =	seq.s32 s5, $0x0;
	s5 =	sld [smem:$0x3FB4]  }
0x2b: {  	s6 =	sld [smem:$0x3FB5]  }
0x2c: {  	s7 =	sld [smem:$0x3FB6]  }
0x2d: {  	s3 =	simm.s32 $0x108;
	s8 =	sld [smem:$0x3FB7]  }
0x2e: {  	s3 =	simm.s32 @!p0 $0x1082;
	s9 =	sld [smem:$0x3FB8]  }
0x2f: {  	lr =	sadd.s32 s0, s3;
	s0 =	sld [smem:$0x3FAF]  }
0x30: {  	s3 =	sld [smem:$0x3FB2]  }
0x31: {  	[smem:$0x3FBB] =	sst s10  }
0x32: {  	s10 =	sld [smem:$0x3FB9];
	_ =	sdelay $0x3  }
0x33: {  	p0 =	seq.s32 s10, $0x1;
	s10 =	sld [smem:$0x3FBB];
	_ =	sdelay $0x3  }
0x34: {  	[smem:$0x3FBB] =	sst s10  }
0x35: {  	s10 =	sld [smem:$0x3FBA];
	_ =	sdelay $0x3  }
0x36: {  	p1 =	seq.s32 s10, $0x1;
	s10 =	sld [smem:$0x3FBB];
	_ =	sdelay $0x3  }
0x37: {  	[smem:$0x3FBB] =	sst s10  }
0x38: {  	s10 =	sld [smem:$0x3FBC]  }
0x39: {  	_ = 	snop;
	(pc) =	sbr.ind lr, $3  }
0x3a: {  	_ = 	snop  }
0x3b: {  	_ = 	snop  }
0x3c: {  	p2 =	seq.s32 s10, $0x1;
	s10 =	sld [smem:$0x3FBB]  }
0x3d: {  	_ =	shalt  }
0x3e: {  	_ =	shalt  }
0x3f: {  	_ =	shalt  }
0x40: {  	_ =	shalt  }
0x41: {  	_ =	shalt  }
0x42: {  	_ =	shalt  }
0x43: {  	_ =	shalt  }
0x44: {  	_ =	shalt  }
0x45: {  	_ =	shalt  }
0x46: {  	_ =	shalt  }
0x47: {  	_ =	shalt  }
0x48: {  	_ =	shalt  }
0x49: {  	_ =	shalt  }
0x4a: {  	_ =	shalt  }
0x4b: {  	_ =	shalt  }
0x4c: {  	_ =	shalt  }
0x4d: {  	_ =	shalt  }
0x4e: {  	_ =	shalt  }
0x4f: {  	_ =	shalt  }
0x50: {  	_ =	shalt  }
0x51: {  	_ =	shalt  }
0x52: {  	_ =	shalt  }
0x53: {  	_ =	shalt  }
0x54: {  	_ =	shalt  }
0x55: {  	_ =	shalt  }
0x56: {  	_ =	shalt  }
0x57: {  	_ =	shalt  }
0x58: {  	_ =	shalt  }
0x59: {  	_ =	shalt  }
0x5a: {  	_ =	shalt  }
0x5b: {  	_ =	shalt  }
0x5c: {  	_ =	shalt  }
0x5d: {  	_ =	shalt  }
0x5e: {  	_ =	shalt  }
0x5f: {  	_ =	shalt  }
0x60: {  	_ =	shalt  }
0x61: {  	_ =	shalt  }
0x62: {  	_ =	shalt  }
0x63: {  	_ =	shalt  }
0x64: {  	_ =	shalt  }
0x65: {  	_ =	shalt  }
0x66: {  	_ =	shalt  }
0x67: {  	_ =	shalt  }
0x68: {  	_ =	shalt  }
0x69: {  	_ =	shalt  }
0x6a: {  	_ =	shalt  }
0x6b: {  	_ =	shalt  }
0x6c: {  	_ =	shalt  }
0x6d: {  	_ =	shalt  }
0x6e: {  	_ =	shalt  }
0x6f: {  	_ =	shalt  }
0x70: {  	_ =	shalt  }
0x71: {  	_ =	shalt  }
0x72: {  	_ =	shalt  }
0x73: {  	_ =	shalt  }
0x74: {  	_ =	shalt  }
0x75: {  	_ =	shalt  }
0x76: {  	_ =	shalt  }
0x77: {  	_ =	shalt  }
0x78: {  	_ =	shalt  }
0x79: {  	_ =	shalt  }
0x7a: {  	_ =	shalt  }
0x7b: {  	_ =	shalt  }
0x7c: {  	_ =	shalt  }
0x7d: {  	_ =	shalt  }
0x7e: {  	_ =	shalt  }
0x7f: {  	_ =	shalt  }
0x80: {  	_ =	shalt  }
0x81: {  	_ =	shalt  }
0x82: {  	_ =	shalt  }
0x83: {  	_ =	shalt  }
0x84: {  	_ =	shalt  }
0x85: {  	_ =	shalt  }
0x86: {  	_ =	shalt  }
0x87: {  	_ =	shalt  }
.Lfunc_end0:
.L_simem_size_0:
called_computation_lowered:
.L_overlay_start_0:
0x88: {  	s2 =	sld [smem:$0x3FD9]  }
0x89: {  	s3 =	sld [smem:$0x3FFE];
	_ =	sdelay $0x1  }
0x8a: {  	s1 =	srdreg.scid  }
0x8b: {  	s0 =	sand.u32 $0x1, s1  }
0x8c: {  	s18 =	sshll.u32 s0, $0xA;
	s2 =	sadd.s32 s3, s2  }
0x8d: {  	s2 =	sadd.s32 s2, s18  }
0x8e: {  	[smem:$0x3FC7] =	sst s2  }
0x8f: {  	_ = 	snop  }
0x90: {  	s2 =	sld [smem:$0x3FC9]  }
0x91: {  	s19 =	sld [smem:$0x3FD0];
	(tm) =	ssettm $0x1  }
0x92: {  	s4 =	sld [smem:$0x3FFB];
	_ =	sdelay $0x3  }
0x93: {  	_ =	strace s4  }
0x94: {  	s4 =	sld [smem:$0x3FFC];
	_ =	sdelay $0x3  }
0x95: {  	_ =	strace s4  }
0x96: {  	s4 =	sld [smem:$0x3FFD];
	_ =	sdelay $0x3  }
0x97: {  	_ =	strace s4  }
0x98: {  	_ =	strace $0x8FFFFFFF  }
0x99: {  	s20 =	sld [smem:$0x3FDB];
	_ =	sdelay $0x1  }
0x9a: {  	s5 =	simm.s32 $_scs_section_size  }
0x9b: {  	s6 =	simm.s32 $_size__tile_overlayer_lowered;
	s7 =	simm.s32 $_tile_overlayer_lowered  }
0x9c: {  	s23 =	simm.s32 $0x1BFF;
	s22 =	sshll.u32 s7, $0x1;
	s4 =	sadd.s32 s5, s20  }
0x9d: {  	s8 =	simm.s32 $0x0;
	s21 =	sshll.u32 s6, $0x1;
	s6 =	sadd.s32 s22, s4  }
0x9e: {  	[timem:s8], [sflag:s23] =	dma.local [hbm:s6], s21  }
0x9f: {  	_ =	swait.ge [sflag:s23], s21  }
0xa0: {  	s5 =	ssub.s32 $0x0, s21;
	[sflag:s23] =	ssyncset.done $0x0  }
0xa1: {  	[sflag:s23] =	ssyncadd.s32 s5;
	_ =	sdelay $0x1  }
0xa2: {  	s24 =	simm.s32 $0x1B8B  }
0xa3: {  	_ =	swait.ge [sflag:s24], $0x1  }
0xa4: {  	[sflag:s24] =	ssyncset.done $0x0  }
0xa5: {  	s25 =	simm.s32 $0x1B8E;
	[sflag:s24] =	ssyncadd.s32 $0xFFFFFFFF  }
0xa6: {  	s26 =	simm.s32 $execute0_lowered;
	[smem:$0x3FD2] =	sst s25  }
0xa7: {  	s5 =	sshll.u32 s26, $0x1;
	_ =	strace $0x80000046;
	[dreg:$0x1] =	wrdreg $0xFFFFFFFF  }
0xa8: {  	s28 =	simm.s32 $_size_execute0_lowered;
	s4 =	sadd.s32 s4, s5;
	[dreg:$0x0] =	wrdreg $0x0  }
0xa9: {  	s5 =	sshll.u32 s28, $0x1;
	[dreg:$0x2] =	wrdreg s4  }
0xaa: {  	[dreg:$0x3] =	wrdreg s5  }
0xab: {  	[dreg:$0x4] =	wrdreg $0xC0  }
0xac: {  	_ =	task [dreg:s8], $0x5FFFF  }
0xad: {  	[dreg:$0x1] =	wrdreg $0xFFFFFFFF  }
0xae: {  	[dreg:$0x0] =	wrdreg $0x60  }
0xaf: {  	[dreg:$0x2] =	wrdreg s2  }
0xb0: {  	[dreg:$0x3] =	wrdreg s19  }
0xb1: {  	[dreg:$0x4] =	wrdreg $0x0  }
0xb2: {  	[dreg:$0x5] =	wrdreg $0x9  }
0xb3: {  	_ =	task.clear_ibuf [dreg:s8], $0x6FFFF;
	_ =	strace $0x90000046  }
0xb4: {  	s29 =	simm.s32 $0x9;
	_ =	strace $0x80000048  }
0xb5: {  	_ =	swait.ge [sflag:s29], $0x1  }
0xb6: {  	[sflag:s29] =	ssyncadd.s32 $0xFFFFFFFF  }
0xb7: {  	_ =	strace $0x90000048  }
0xb8: {  	_ =	sfence  }
0xb9: {  	s30 =	sld [smem:$0x0];
	_ =	sdelay $0x2  }
0xba: {  	s31 =	sshll.u32 s1, $0xD;
	s1 =	sshrl.u32 s1, $0x2  }
0xbb: {  	s3 =	sand.u32 $0x4000, s31;
	s1 =	sadd.s32 s1, s30  }
0xbc: {  	s0 =	sor.u32 s3, s0;
	s1 =	sshll.u32 s1, $0x11  }
0xbd: {  	s0 =	sor.u32 s1, s0  }
0xbe: {  	s0 =	sadd.s32 $0x8F2B, s0  }
0xbf: {  	[sflag:s0] =	ssyncadd.remote.s32 $0x1  }
0xc0: {  	_ =	sfence.sel $0xFFFF  }
0xc1: {  	[dreg:$0x0] =	wrdreg $0xFFFFFFFF;
	(pc) =	sbr.abs _section_cstart, $3  }
0xc2: {  	[dreg:$0x1] =	wrdreg $0xFFFFFFFF  }
0xc3: {  	_ =	task.clear_ibuf [dreg:s8], $0x2FFFF;
	_ =	strace $0x9FFFFFFF  }
0xc4: {  	(tm) =	ssettm $0x7FFFFFFF  }
0xc5: {  	_ =	shalt  }
tec
execute0_lowered:
.L_overlay_start_1:
0x0: {  	(tag) =	ssettag $0x1  }
0x1: {  	s16 =	rddreg [dreg:$0x0]  }
0x2: {  	s15 =	rddreg [dreg:$0x1]  }
0x3: {  	s4 =	rddreg [dreg:$0x2];
	s1 =	stileid.u32  }
0x4: {  	s0 =	rddreg [dreg:$0x3];
	s29 =	smul.u32 $0x64000, s1  }
0x5: {  	s3 =	srdreg.scid;
	s19 =	smul.u32 $0x19000, s1  }
0x6: {  	s2 =	simm.s32 $0x0;
	s17 =	sand.u32 $0x1, s3;
	s31 =	smul.u32 $0x3200, s1  }
0x7: {  	[smem:$0x7FF] =	sst s2;
	s5 =	sshll.u32 s1, $0x1;
	s20 =	smul.u32 $0xC800, s17  }
0x8: {  	s3 =	ssub.s32 $0x2, s17;
	s7 =	sor.u32 s17, s5;
	s17 =	smul.u32 $0x1900, s17  }
0x9: {  	s22 =	simm.s32 $0x2;
	_ =	strace $0x80000047;
	s9 =	smul.u32 $0x1900, s7  }
0xa: {  	s6 =	sshrl.u32 s3, $0x1;
	s5 =	sshrl.u32 s29, $0x2;
	s10 =	smul.u32 $0xC800, s7  }
0xb: {  	s23 =	sor.u32 $0x1A0, s7;
	s24 =	sor.u32 $0x1E0, s7;
	s8 =	ssub.s32 s3, s6  }
0xc: {  	s3 =	sshll.u32 s1, $0x6;
	s18 =	sadd.s32 s5, s4;
	s30 =	smul.u32 $0xC800, s23  }
0xd: {  	s14 =	smul.u32 $0x1900, s24;
	s19 =	sadd.s32 s20, s19;
	s20 =	sadd.s32 s31, s15  }
0xe: {  	p0 =	sgt.u32 s23, $0x1B3;
	s23 =	simm.s32 $0x3;
	p1 =	sgt.u32 s24, $0x1F3  }
0xf: {  	s24 =	simm.s32 $0x4;
	s4 =	sadd.s32 s16, s9;
	s5 =	sor.u32 $0x1C01, s3  }
0x10: {  	s6 =	sadd.s32 $0xC800, s18;
	s10 =	sshrl.u32 s10, $0x3;
	s8 =	smax.u32 s8, $0x1  }
0x11: {  	s9 =	sadd.s32 s15, s9;
	s21 =	sadd.s32 $0x4B0000, s19;
	s19 =	sadd.s32 $0x640000, s19  }
0x12: {  	s17 =	sadd.s32 s17, s20;
	s18 =	sshrl.u32 s18, $0x3;
	s11 =	sadd.s32 s16, s10  }
0x13: {  	s12 =	sshrl.u32 s30, $0x3;
	s10 =	sadd.s32 $0x32000, s9;
	s14 =	sadd.s32 s15, s14  }
0x14: {  	s21 =	sshrl.u32 s21, $0x3;
	s19 =	sshrl.u32 s19, $0x3;
	s20 =	sshrl.u32 s6, $0x3  }
0x15: {  	s7 =	sadd.s32 $0x32000, s11;
	s13 =	sadd.s32 s16, s12;
	s11 =	sadd.s32 $0x64000, s11  }
0x16: {  	s12 =	sadd.s32 $0x2BC000, s9;
	s15 =	sadd.s32 s21, s16;
	s16 =	sadd.s32 s19, s16  }
0x17: {  	s19 =	sor.u32 $0x1C02, s3;
	s21 =	simm.s32 $0x1;
	s13 =	sadd.s32 $0x64000, s13  }
.LBB2_1:
0x18: {  	[spmem:s18], [sflag:s5] =	dma.local [hbm:s4], $0x1900  }
0x19: {  	[spmem:s20], [sflag:s19] =	dma.local [hbm:s7], $0x1900  }
0x1a: {  	_ =	swait.ge [sflag:s21], $0x1900  }
0x1b: {  	[sflag:s21] =	ssyncset.done $0x0  }
0x1c: {  	s26 =	sor.u32 $0x1C03, s3;
	[sflag:s21] =	ssyncadd.s32 $0xFFFFE700  }
0x1d: {  	[hbm:s9], [sflag:s26] =	dma.local [spmem:s18], $0x1900  }
0x1e: {  	_ =	swait.ge [sflag:s22], $0x1900  }
0x1f: {  	[sflag:s22] =	ssyncset.done $0x0  }
0x20: {  	s25 =	sor.u32 $0x1C04, s3;
	[sflag:s22] =	ssyncadd.s32 $0xFFFFE700  }
0x21: {  	[hbm:s10], [sflag:s25] =	dma.local [spmem:s20], $0x1900  }
0x22: {  	_ =	swait.ge [sflag:s23], $0x1900  }
0x23: {  	[sflag:s23] =	ssyncset.done $0x0  }
0x24: {  	[sflag:s23] =	ssyncadd.s32 $0xFFFFE700  }
0x25: {  	[spmem:s18], [sflag:s5] =	dma.local [hbm:s11], $0x1900  }
0x26: {  	_ =	swait.ge [sflag:s21], $0x1900  }
0x27: {  	s28 =	sadd.s32 $0x0, s17;
	[sflag:s21] =	ssyncset.done $0x0  }
0x28: {  	s29 =	sadd.s32 $0x64000, s28;
	[sflag:s21] =	ssyncadd.s32 $0xFFFFE700  }
0x29: {  	[hbm:s29], [sflag:s26] =	dma.local [spmem:s18], $0x1900  }
0x2a: {  	_ =	swait.ge [sflag:s24], $0x1900  }
0x2b: {  	[sflag:s24] =	ssyncset.done $0x0  }
0x2c: {  	s29 =	sadd.s32 $0x0, s15;
	[sflag:s24] =	ssyncadd.s32 $0xFFFFE700  }
0x2d: {  	[spmem:s20], [sflag:s19] =	dma.local [hbm:s29], $0x1900  }
0x2e: {  	_ =	swait.ge [sflag:s22], $0x1900  }
0x2f: {  	[sflag:s22] =	ssyncset.done $0x0  }
0x30: {  	s28 =	sadd.s32 $0x96000, s28;
	[sflag:s22] =	ssyncadd.s32 $0xFFFFE700  }
0x31: {  	[hbm:s28], [sflag:s25] =	dma.local [spmem:s20], $0x1900  }
0x32: {  	_ =	swait.ge [sflag:s23], $0x1900  }
0x33: {  	[sflag:s23] =	ssyncset.done $0x0  }
0x34: {  	s29 =	sadd.s32 $0x0, s16;
	s28 =	simm.s32 $0x64000;
	[sflag:s23] =	ssyncadd.s32 $0xFFFFE700  }
.LBB2_2:
0x35: {  	[spmem:s18], [sflag:s5] =	dma.local [hbm:s29], $0x1900  }
0x36: {  	s29 =	smov.u32 s28  }
0x37: {  	p2 =	sne.s32 s28, $0x1F4000;
	s28 =	sadd.s32 $0x64000, s28;
	_ =	swait.ge [sflag:s21], $0x1900  }
0x38: {  	s30 =	sadd.s32 s29, s17;
	[sflag:s21] =	ssyncset.done $0x0  }
0x39: {  	s31 =	sadd.s32 $0x64000, s30;
	[sflag:s21] =	ssyncadd.s32 $0xFFFFE700  }
0x3a: {  	[hbm:s31], [sflag:s26] =	dma.local [spmem:s18], $0x1900  }
0x3b: {  	_ =	swait.ge [sflag:s24], $0x1900  }
0x3c: {  	[sflag:s24] =	ssyncset.done $0x0  }
0x3d: {  	s31 =	sadd.s32 s29, s15;
	[sflag:s24] =	ssyncadd.s32 $0xFFFFE700  }
0x3e: {  	[spmem:s20], [sflag:s19] =	dma.local [hbm:s31], $0x1900  }
0x3f: {  	_ =	swait.ge [sflag:s22], $0x1900  }
0x40: {  	[sflag:s22] =	ssyncset.done $0x0  }
.Ltmp0:
0x41: {  	s30 =	sadd.s32 $0x96000, s30;
	[sflag:s22] =	ssyncadd.s32 $0xFFFFE700;
	(pc) =	sbr.rel @p2 .LBB2_2-.Ltmp0, $4  }
0x42: {  	[hbm:s30], [sflag:s25] =	dma.local [spmem:s20], $0x1900  }
0x43: {  	_ =	swait.ge [sflag:s23], $0x1900  }
0x44: {  	[sflag:s23] =	ssyncset.done $0x0  }
0x45: {  	s29 =	sadd.s32 s29, s16;
	[sflag:s23] =	ssyncadd.s32 $0xFFFFE700  }
0x46: {  	[spmem:s18], [sflag:s5] =	dma.local [hbm:s29], $0x1900  }
0x47: {  	_ =	swait.ge [sflag:s21], $0x1900  }
0x48: {  	[sflag:s21] =	ssyncset.done $0x0  }
0x49: {  	[sflag:s21] =	ssyncadd.s32 $0xFFFFE700  }
0x4a: {  	[hbm:s12], [sflag:s26] =	dma.local [spmem:s18], $0x1900  }
0x4b: {  	s26 =	simm.s32 @!p0 $0x4  }
0x4c: {  	_ =	swait.ge @!p0 [sflag:s26], $0x1900  }
0x4d: {  	[sflag:s26] =	ssyncset.done @!p0 $0x0  }
0x4e: {  	[sflag:s26] =	ssyncadd.s32 @!p0 $0xFFFFE700;
	s26 =	sshrl.u32 @!p0 s6, $0x3  }
0x4f: {  	[spmem:s26], [sflag:s19] =	dma.local @!p0 [hbm:s13], $0x1900  }
0x50: {  	s26 =	simm.s32 @!p1 $0x2  }
0x51: {  	_ =	swait.ge @!p1 [sflag:s26], $0x1900  }
0x52: {  	[sflag:s26] =	ssyncset.done @!p1 $0x0  }
0x53: {  	s2 =	sadd.s32 $0x1, s2;
	[sflag:s26] =	ssyncadd.s32 @!p1 $0xFFFFE700;
	s26 =	sshrl.u32 @!p1 s6, $0x3  }
0x54: {  	[hbm:s14], [sflag:s25] =	dma.local @!p1 [spmem:s26], $0x1900  }
0x55: {  	p2 =	sne.s32 s2, s8;
	_ =	swait.ge [sflag:s23], $0x1900  }
.Ltmp1:
0x56: {  	[sflag:s23] =	ssyncset.done $0x0;
	(pc) =	sbr.rel @p2 .LBB2_1-.Ltmp1, $4  }
0x57: {  	[sflag:s23] =	ssyncadd.s32 $0xFFFFE700  }
0x58: {  	_ =	swait.ge [sflag:s24], $0x1900  }
0x59: {  	[sflag:s24] =	ssyncset.done $0x0  }
0x5a: {  	[sflag:s24] =	ssyncadd.s32 $0xFFFFE700  }
0x5b: {  	_ =	sfence.sel $0x180000  }
0x5c: {  	[bflag:$0x0] =	sbarrier.arrive $0xFFFF  }
0x5d: {  	p0 =	sne.s32 s1, $0x0;
	_ =	strace $0x90000047  }
0x5e: {  	s0 =	sadd.s32 @!p0 $0x100000, s0;
	[bflag:$0x2] =	sbarrier.arrive $0xFFFF  }
0x5f: {  	[sflag:s0] =	ssyncadd.tile.s32 @!p0 $0x1;
	_ =	shalt  }
.Lfunc_end2:
_tile_overlayer_lowered:
.L_overlay_start_2:
0x60: {  	(tag) =	ssettag $0x2  }
0x61: {  	s0 =	rddreg [dreg:$0x0];
	s2 =	stileid.u32  }
0x62: {  	s1 =	rddreg [dreg:$0x1];
	p0 =	sne.s32 s2, $0x0  }
0x63: {  	s3 =	rddreg [dreg:$0x2];
	[bflag:$0x3] =	sbarrier.arrive $0xFFFF;
	s2 =	simm.s32 @!p0 $0x1C05  }
0x64: {  	[timem:s3], [sflag:s2] =	dma.local @!p0 [hbm:s0], s1  }
0x65: {  	s0 =	simm.s32 @!p0 $0x5  }
0x66: {  	_ =	swait.ge @!p0 [sflag:s0], s1  }
0x67: {  	s1 =	ssub.s32 @!p0 $0x0, s1;
	[sflag:s0] =	ssyncset.done @!p0 $0x0  }
0x68: {  	[sflag:s0] =	ssyncadd.s32 @!p0 s1  }
0x69: {  	[bflag:$0x3] =	sbarrier.arrive $0xFFFF  }
0x6a: {  	_ =	shalt  }

</sc_bundles>
